<compile_context>
chip_gen: v7x
topology: tpu7x:2x2x1
jax: 0.10.2.dev20260603
libtpu: 0.0.44.dev20260713+nightly
codegen_flags: <defaults>
</compile_context>

<pallas_src>
import functools

import jax
import jax.numpy as jnp
from jax import lax
from jax.experimental import pallas as pl
from jax.experimental.pallas import tpu as pltpu
from jax.experimental.pallas import tpu_sc as plsc

NUM_EMBEDDINGS = 1024
EMBEDDING_DIM = 64
COMMITMENT_COST = 0.25

N_ROWS = 32 * 576
BLK = 4608
NBLK = N_ROWS // BLK

NW = 32
BPW = N_ROWS // NW
CHUNK = 96
NCHUNK = BPW // CHUNK


def _tc_body(x_ref, w_ref, iota_ref, x2_ref, w2_ref, idx_ref, loss_ref,
             perp_ref, cnt_s, lsum_s):
    b = pl.program_id(0)

    @pl.when(b == 0)
    def _init():
        cnt_s[...] = jnp.zeros_like(cnt_s)
        lsum_s[0, 0] = 0.0

    x = x_ref[...]
    w = w_ref[...]
    ii = iota_ref[...]
    x2 = x2_ref[...]
    w2 = w2_ref[...][0]
    mm = lax.dot_general(x, w, (((1,), (1,)), ((), ())))
    d = x2 + w2 - 2.0 * mm
    m = jnp.min(d, axis=1, keepdims=True)
    lsum_s[0, 0] += jnp.sum(m)
    idxf = jnp.min(jnp.where(d == m, ii, 1024.0), axis=1, keepdims=True)
    idx_ref[0, 0, :] = idxf[:, 0].astype(jnp.int32)
    onehot = (idxf == ii).astype(jnp.float32)
    ones_row = jnp.ones((1, BLK), jnp.float32)
    cnt_s[...] += lax.dot_general(ones_row, onehot, (((1,), (0,)), ((), ())))

    @pl.when(b == NBLK - 1)
    def _fini():
        mse = lsum_s[0, 0] / float(N_ROWS * EMBEDDING_DIM)
        loss_ref[0, 0] = mse + COMMITMENT_COST * mse
        p = cnt_s[...] / float(N_ROWS)
        ent = jnp.sum(p * jnp.log(p + 1e-10))
        perp_ref[0, 0] = jnp.exp(-ent)


def _vq_tc(x, W):
    return pl.pallas_call(
        _tc_body,
        grid=(NBLK,),
        in_specs=[
            pl.BlockSpec((BLK, EMBEDDING_DIM), lambda i: (i, 0)),
            pl.BlockSpec((NUM_EMBEDDINGS, EMBEDDING_DIM), lambda i: (0, 0)),
            pl.BlockSpec((1, NUM_EMBEDDINGS), lambda i: (0, 0)),
            pl.BlockSpec((BLK, 1), lambda i: (i, 0)),
            pl.BlockSpec((1, NUM_EMBEDDINGS), lambda i: (0, 0)),
        ],
        out_specs=[
            pl.BlockSpec((1, 1, BLK), lambda i: (i, 0, 0)),
            pl.BlockSpec((1, 1), lambda i: (0, 0), memory_space=pltpu.SMEM),
            pl.BlockSpec((1, 1), lambda i: (0, 0), memory_space=pltpu.SMEM),
        ],
        out_shape=[
            jax.ShapeDtypeStruct((NBLK, 1, BLK), jnp.int32),
            jax.ShapeDtypeStruct((1, 1), jnp.float32),
            jax.ShapeDtypeStruct((1, 1), jnp.float32),
        ],
        scratch_shapes=[
            pltpu.VMEM((1, NUM_EMBEDDINGS), jnp.float32),
            pltpu.SMEM((1, 1), jnp.float32),
        ],
        compiler_params=pltpu.CompilerParams(
            dimension_semantics=("arbitrary",)),
    )(x, W, jnp.arange(NUM_EMBEDDINGS, dtype=jnp.float32).reshape(1, -1),
      jnp.sum(x ** 2, axis=1, keepdims=True),
      jnp.sum(W ** 2, axis=1).reshape(1, -1))


@functools.cache
def _make_sc_gather():
    mesh = plsc.VectorSubcoreMesh(core_axis_name="c", subcore_axis_name="s")

    @functools.partial(
        pl.kernel,
        mesh=mesh,
        out_type=jax.ShapeDtypeStruct((N_ROWS, 128), jnp.float32),
        scratch_types=[
            pltpu.VMEM((BPW,), jnp.int32),
            pltpu.VMEM((BPW, 128), jnp.float32),
            pltpu.SemaphoreType.DMA,
        ],
    )
    def _sc_gather(table_hbm, idx_hbm, out_hbm, idx_v, rows_v, sem):
        wid = lax.axis_index("s") * 2 + lax.axis_index("c")
        base = wid * BPW
        pltpu.sync_copy(idx_hbm.at[pl.ds(base, BPW)], idx_v)
        copies = [
            pltpu.async_copy(
                table_hbm.at[idx_v.at[pl.ds(c * CHUNK, CHUNK)]],
                rows_v.at[pl.ds(c * CHUNK, CHUNK)],
                sem,
            )
            for c in range(NCHUNK)
        ]
        for cp in copies:
            cp.wait()
        pltpu.sync_copy(rows_v, out_hbm.at[pl.ds(base, BPW)])

    return _sc_gather


def kernel(inputs, W):
    input_shape = inputs.shape
    x = inputs.reshape(-1, EMBEDDING_DIM)
    idx3, loss11, perp11 = _vq_tc(x, W)
    idx_flat = idx3.reshape(-1)
    table128 = jnp.concatenate(
        [W, jnp.zeros((NUM_EMBEDDINGS, 128 - EMBEDDING_DIM), jnp.float32)],
        axis=1)
    quantized = _make_sc_gather()(table128, idx_flat)[:, :EMBEDDING_DIM]
    return (
        loss11.reshape(()),
        quantized.reshape(input_shape),
        perp11.reshape(()),
        idx3.reshape(input_shape[0], -1),
    )

# --- scband reference (transcript-rebuilt; emitter-appended) ---
"""Pipeline reference for scband-vector-quantizer-ema-39633958207791 (READ-ONLY COPY).

The authoritative reference and input builder live on the scoring server;
editing this copy changes nothing except your own understanding.
"""

import jax, jax.numpy as jnp
import numpy as np

NUM_EMBEDDINGS = 1024
EMBEDDING_DIM = 64
COMMITMENT_COST = 0.25


def setup_inputs(seed: int = 0) -> dict:
    key = jax.random.key(seed)
    k_in, k_w = jax.random.split(key)
    inputs = jax.random.normal(k_in, (32, 576, 64), dtype=jnp.float32)
    # embedding initialized uniform(-1/K, 1/K) as in the torch module
    W = jax.random.uniform(k_w, (NUM_EMBEDDINGS, EMBEDDING_DIM), dtype=jnp.float32,
                           minval=-1.0 / NUM_EMBEDDINGS, maxval=1.0 / NUM_EMBEDDINGS)
    return {"inputs": inputs, "W": W}


def reference(inputs, W):
    input_shape = inputs.shape
    flat_input = inputs.reshape(-1, EMBEDDING_DIM)
    distances = (jnp.sum(flat_input ** 2, axis=1, keepdims=True)
                 + jnp.sum(W ** 2, axis=1)
                 - 2.0 * jnp.matmul(flat_input, W.T))
    encoding_indices = jnp.argmin(distances, axis=1)
    encodings = jax.nn.one_hot(encoding_indices, NUM_EMBEDDINGS, dtype=jnp.float32)
    quantized = jnp.matmul(encodings, W).reshape(input_shape)
    e_latent_loss = jnp.mean((jax.lax.stop_gradient(quantized) - inputs) ** 2)
    q_latent_loss = jnp.mean((quantized - jax.lax.stop_gradient(inputs)) ** 2)
    loss = q_latent_loss + COMMITMENT_COST * e_latent_loss
    quantized_st = inputs + jax.lax.stop_gradient(quantized - inputs)
    avg_probs = jnp.mean(encodings, axis=0)
    perplexity = jnp.exp(-jnp.sum(avg_probs * jnp.log(avg_probs + 1e-10)))
    indices_for_transformer = encoding_indices.reshape(input_shape[0], -1)
    return (loss, quantized_st, perplexity, indices_for_transformer)

if __name__ == "__main__":
    import jax
    _d = setup_inputs()
    print(jax.jit(kernel)(*tuple(_d.values())))

</pallas_src>

<mosaic_0001>
#map = affine_map<(d0, d1) -> (0, 0)>
#map1 = affine_map<(d0, d1) -> (0)>
module attributes {stable_mosaic.version = 14 : i64} {
  func.func @_sc_gather(%arg0: i32, %arg1: i32, %arg2: memref<1024x128xf32, #tpu.memory_space<hbm>>, %arg3: memref<18432xi32, #tpu.memory_space<hbm>>, %arg4: memref<18432x128xf32, #tpu.memory_space<hbm>>, %arg5: memref<576xi32, #tpu.memory_space<vmem>>, %arg6: memref<576x128xf32, #tpu.memory_space<vmem>>, %arg7: memref<!tpu.dma_semaphore, #tpu.memory_space<semaphore_mem>>) attributes {dimension_semantics = [#tpu.dimension_semantics<core_parallel>, #tpu.dimension_semantics<subcore_parallel>], iteration_bounds = array<i64: 2, 16>, scalar_prefetch = 0 : i64, scratch_operands = 3 : i64, tpu.core_type = #tpu.core_type<sc_vector_subcore>, window_params = [{transform_indices = #map}, {transform_indices = #map1}, {transform_indices = #map}]} {
    %mul3A = arith.constant 2 : i32
    %mul3A_0 = arith.muli %arg1, %mul3A : i32
    %add3A = arith.addi %mul3A_0, %arg0 : i32
    %mul3A_1 = arith.constant 576 : i32
    %mul3A_2 = arith.muli %add3A, %mul3A_1 : i32
    "tpu.region"() ({
      %run_scoped3A = tpu.sem_alloc : memref<!tpu.dma_semaphore, #tpu.memory_space<semaphore_mem>>
      %dma_start3A_97 = tpu.memref_slice %arg3[%mul3A_2] : memref<18432xi32, #tpu.memory_space<hbm>> -> memref<576xi32, #tpu.memory_space<hbm>>
      %dma_start3A_98 = tpu.memref_slice %arg3[%mul3A_2] : memref<18432xi32, #tpu.memory_space<hbm>> -> memref<576xi32, #tpu.memory_space<hbm>>
      tpu.enqueue_dma source(%dma_start3A_98 : memref<576xi32, #tpu.memory_space<hbm>>) target(%arg5 : memref<576xi32, #tpu.memory_space<vmem>>) target_semaphore(%run_scoped3A : memref<!tpu.dma_semaphore, #tpu.memory_space<semaphore_mem>>)
      %dma_wait3A_99 = tpu.memref_slice %arg3[%mul3A_2] : memref<18432xi32, #tpu.memory_space<hbm>> -> memref<576xi32, #tpu.memory_space<hbm>>
      %dma_wait3A_100 = tpu.memref_slice %arg3[%mul3A_2] : memref<18432xi32, #tpu.memory_space<hbm>> -> memref<576xi32, #tpu.memory_space<hbm>>
      tpu.wait_dma2 semaphore(%run_scoped3A : memref<!tpu.dma_semaphore, #tpu.memory_space<semaphore_mem>>) src(%dma_wait3A_100 : memref<576xi32, #tpu.memory_space<hbm>>) dst(%arg5 : memref<576xi32, #tpu.memory_space<vmem>>)
      tpu.yield
    }) : () -> ()
    %dma_start3A = arith.constant 0 : i32
    %dma_start3A_3 = arith.constant 0 : i32
    %dma_start3A_4 = tpu.memref_slice %arg6[%dma_start3A, %dma_start3A_3] : memref<576x128xf32, #tpu.memory_space<vmem>> -> memref<96x128xf32, #tpu.memory_space<vmem>>
    %dma_start3A_5 = arith.constant 0 : i32
    %dma_start3A_6 = tpu.memref_slice %arg5[%dma_start3A_5] : memref<576xi32, #tpu.memory_space<vmem>> -> memref<96xi32, #tpu.memory_space<vmem>>
    %dma_start3A_7 = arith.constant 0 : i32
    %dma_start3A_8 = arith.constant 0 : i32
    %dma_start3A_9 = tpu.memref_slice %arg2[%dma_start3A_7, %dma_start3A_8] : memref<1024x128xf32, #tpu.memory_space<hbm>> -> memref<1024x128xf32, #tpu.memory_space<hbm>>
    tpu.enqueue_indirect_dma source(%dma_start3A_9 : memref<1024x128xf32, #tpu.memory_space<hbm>>) target(%dma_start3A_4 : memref<96x128xf32, #tpu.memory_space<vmem>>) offsets(%dma_start3A_6 : memref<96xi32, #tpu.memory_space<vmem>>) semaphore(%arg7 : memref<!tpu.dma_semaphore, #tpu.memory_space<semaphore_mem>>)
    %dma_start3A_10 = arith.constant 96 : i32
    %dma_start3A_11 = arith.constant 0 : i32
    %dma_start3A_12 = tpu.memref_slice %arg6[%dma_start3A_10, %dma_start3A_11] : memref<576x128xf32, #tpu.memory_space<vmem>> -> memref<96x128xf32, #tpu.memory_space<vmem>>
    %dma_start3A_13 = arith.constant 96 : i32
    %dma_start3A_14 = tpu.memref_slice %arg5[%dma_start3A_13] : memref<576xi32, #tpu.memory_space<vmem>> -> memref<96xi32, #tpu.memory_space<vmem>>
    %dma_start3A_15 = arith.constant 0 : i32
    %dma_start3A_16 = arith.constant 0 : i32
    %dma_start3A_17 = tpu.memref_slice %arg2[%dma_start3A_15, %dma_start3A_16] : memref<1024x128xf32, #tpu.memory_space<hbm>> -> memref<1024x128xf32, #tpu.memory_space<hbm>>
    tpu.enqueue_indirect_dma source(%dma_start3A_17 : memref<1024x128xf32, #tpu.memory_space<hbm>>) target(%dma_start3A_12 : memref<96x128xf32, #tpu.memory_space<vmem>>) offsets(%dma_start3A_14 : memref<96xi32, #tpu.memory_space<vmem>>) semaphore(%arg7 : memref<!tpu.dma_semaphore, #tpu.memory_space<semaphore_mem>>)
    %dma_start3A_18 = arith.constant 192 : i32
    %dma_start3A_19 = arith.constant 0 : i32
    %dma_start3A_20 = tpu.memref_slice %arg6[%dma_start3A_18, %dma_start3A_19] : memref<576x128xf32, #tpu.memory_space<vmem>> -> memref<96x128xf32, #tpu.memory_space<vmem>>
    %dma_start3A_21 = arith.constant 192 : i32
    %dma_start3A_22 = tpu.memref_slice %arg5[%dma_start3A_21] : memref<576xi32, #tpu.memory_space<vmem>> -> memref<96xi32, #tpu.memory_space<vmem>>
    %dma_start3A_23 = arith.constant 0 : i32
    %dma_start3A_24 = arith.constant 0 : i32
    %dma_start3A_25 = tpu.memref_slice %arg2[%dma_start3A_23, %dma_start3A_24] : memref<1024x128xf32, #tpu.memory_space<hbm>> -> memref<1024x128xf32, #tpu.memory_space<hbm>>
    tpu.enqueue_indirect_dma source(%dma_start3A_25 : memref<1024x128xf32, #tpu.memory_space<hbm>>) target(%dma_start3A_20 : memref<96x128xf32, #tpu.memory_space<vmem>>) offsets(%dma_start3A_22 : memref<96xi32, #tpu.memory_space<vmem>>) semaphore(%arg7 : memref<!tpu.dma_semaphore, #tpu.memory_space<semaphore_mem>>)
    %dma_start3A_26 = arith.constant 288 : i32
    %dma_start3A_27 = arith.constant 0 : i32
    %dma_start3A_28 = tpu.memref_slice %arg6[%dma_start3A_26, %dma_start3A_27] : memref<576x128xf32, #tpu.memory_space<vmem>> -> memref<96x128xf32, #tpu.memory_space<vmem>>
    %dma_start3A_29 = arith.constant 288 : i32
    %dma_start3A_30 = tpu.memref_slice %arg5[%dma_start3A_29] : memref<576xi32, #tpu.memory_space<vmem>> -> memref<96xi32, #tpu.memory_space<vmem>>
    %dma_start3A_31 = arith.constant 0 : i32
    %dma_start3A_32 = arith.constant 0 : i32
    %dma_start3A_33 = tpu.memref_slice %arg2[%dma_start3A_31, %dma_start3A_32] : memref<1024x128xf32, #tpu.memory_space<hbm>> -> memref<1024x128xf32, #tpu.memory_space<hbm>>
    tpu.enqueue_indirect_dma source(%dma_start3A_33 : memref<1024x128xf32, #tpu.memory_space<hbm>>) target(%dma_start3A_28 : memref<96x128xf32, #tpu.memory_space<vmem>>) offsets(%dma_start3A_30 : memref<96xi32, #tpu.memory_space<vmem>>) semaphore(%arg7 : memref<!tpu.dma_semaphore, #tpu.memory_space<semaphore_mem>>)
    %dma_start3A_34 = arith.constant 384 : i32
    %dma_start3A_35 = arith.constant 0 : i32
    %dma_start3A_36 = tpu.memref_slice %arg6[%dma_start3A_34, %dma_start3A_35] : memref<576x128xf32, #tpu.memory_space<vmem>> -> memref<96x128xf32, #tpu.memory_space<vmem>>
    %dma_start3A_37 = arith.constant 384 : i32
    %dma_start3A_38 = tpu.memref_slice %arg5[%dma_start3A_37] : memref<576xi32, #tpu.memory_space<vmem>> -> memref<96xi32, #tpu.memory_space<vmem>>
    %dma_start3A_39 = arith.constant 0 : i32
    %dma_start3A_40 = arith.constant 0 : i32
    %dma_start3A_41 = tpu.memref_slice %arg2[%dma_start3A_39, %dma_start3A_40] : memref<1024x128xf32, #tpu.memory_space<hbm>> -> memref<1024x128xf32, #tpu.memory_space<hbm>>
    tpu.enqueue_indirect_dma source(%dma_start3A_41 : memref<1024x128xf32, #tpu.memory_space<hbm>>) target(%dma_start3A_36 : memref<96x128xf32, #tpu.memory_space<vmem>>) offsets(%dma_start3A_38 : memref<96xi32, #tpu.memory_space<vmem>>) semaphore(%arg7 : memref<!tpu.dma_semaphore, #tpu.memory_space<semaphore_mem>>)
    %dma_start3A_42 = arith.constant 480 : i32
    %dma_start3A_43 = arith.constant 0 : i32
    %dma_start3A_44 = tpu.memref_slice %arg6[%dma_start3A_42, %dma_start3A_43] : memref<576x128xf32, #tpu.memory_space<vmem>> -> memref<96x128xf32, #tpu.memory_space<vmem>>
    %dma_start3A_45 = arith.constant 480 : i32
    %dma_start3A_46 = tpu.memref_slice %arg5[%dma_start3A_45] : memref<576xi32, #tpu.memory_space<vmem>> -> memref<96xi32, #tpu.memory_space<vmem>>
    %dma_start3A_47 = arith.constant 0 : i32
    %dma_start3A_48 = arith.constant 0 : i32
    %dma_start3A_49 = tpu.memref_slice %arg2[%dma_start3A_47, %dma_start3A_48] : memref<1024x128xf32, #tpu.memory_space<hbm>> -> memref<1024x128xf32, #tpu.memory_space<hbm>>
    tpu.enqueue_indirect_dma source(%dma_start3A_49 : memref<1024x128xf32, #tpu.memory_space<hbm>>) target(%dma_start3A_44 : memref<96x128xf32, #tpu.memory_space<vmem>>) offsets(%dma_start3A_46 : memref<96xi32, #tpu.memory_space<vmem>>) semaphore(%arg7 : memref<!tpu.dma_semaphore, #tpu.memory_space<semaphore_mem>>)
    %dma_wait3A = arith.constant 0 : i32
    %dma_wait3A_50 = arith.constant 0 : i32
    %dma_wait3A_51 = tpu.memref_slice %arg6[%dma_wait3A, %dma_wait3A_50] : memref<576x128xf32, #tpu.memory_space<vmem>> -> memref<96x128xf32, #tpu.memory_space<vmem>>
    %dma_wait3A_52 = arith.constant 0 : i32
    %dma_wait3A_53 = tpu.memref_slice %arg5[%dma_wait3A_52] : memref<576xi32, #tpu.memory_space<vmem>> -> memref<96xi32, #tpu.memory_space<vmem>>
    %dma_wait3A_54 = arith.constant 0 : i32
    %dma_wait3A_55 = arith.constant 0 : i32
    %dma_wait3A_56 = tpu.memref_slice %arg2[%dma_wait3A_54, %dma_wait3A_55] : memref<1024x128xf32, #tpu.memory_space<hbm>> -> memref<1024x128xf32, #tpu.memory_space<hbm>>
    tpu.wait_indirect_dma semaphore(%arg7 : memref<!tpu.dma_semaphore, #tpu.memory_space<semaphore_mem>>) src(%dma_wait3A_56 : memref<1024x128xf32, #tpu.memory_space<hbm>>) dst(%dma_wait3A_51 : memref<96x128xf32, #tpu.memory_space<vmem>>)
    %dma_wait3A_57 = arith.constant 96 : i32
    %dma_wait3A_58 = arith.constant 0 : i32
    %dma_wait3A_59 = tpu.memref_slice %arg6[%dma_wait3A_57, %dma_wait3A_58] : memref<576x128xf32, #tpu.memory_space<vmem>> -> memref<96x128xf32, #tpu.memory_space<vmem>>
    %dma_wait3A_60 = arith.constant 96 : i32
    %dma_wait3A_61 = tpu.memref_slice %arg5[%dma_wait3A_60] : memref<576xi32, #tpu.memory_space<vmem>> -> memref<96xi32, #tpu.memory_space<vmem>>
    %dma_wait3A_62 = arith.constant 0 : i32
    %dma_wait3A_63 = arith.constant 0 : i32
    %dma_wait3A_64 = tpu.memref_slice %arg2[%dma_wait3A_62, %dma_wait3A_63] : memref<1024x128xf32, #tpu.memory_space<hbm>> -> memref<1024x128xf32, #tpu.memory_space<hbm>>
    tpu.wait_indirect_dma semaphore(%arg7 : memref<!tpu.dma_semaphore, #tpu.memory_space<semaphore_mem>>) src(%dma_wait3A_64 : memref<1024x128xf32, #tpu.memory_space<hbm>>) dst(%dma_wait3A_59 : memref<96x128xf32, #tpu.memory_space<vmem>>)
    %dma_wait3A_65 = arith.constant 192 : i32
    %dma_wait3A_66 = arith.constant 0 : i32
    %dma_wait3A_67 = tpu.memref_slice %arg6[%dma_wait3A_65, %dma_wait3A_66] : memref<576x128xf32, #tpu.memory_space<vmem>> -> memref<96x128xf32, #tpu.memory_space<vmem>>
    %dma_wait3A_68 = arith.constant 192 : i32
    %dma_wait3A_69 = tpu.memref_slice %arg5[%dma_wait3A_68] : memref<576xi32, #tpu.memory_space<vmem>> -> memref<96xi32, #tpu.memory_space<vmem>>
    %dma_wait3A_70 = arith.constant 0 : i32
    %dma_wait3A_71 = arith.constant 0 : i32
    %dma_wait3A_72 = tpu.memref_slice %arg2[%dma_wait3A_70, %dma_wait3A_71] : memref<1024x128xf32, #tpu.memory_space<hbm>> -> memref<1024x128xf32, #tpu.memory_space<hbm>>
    tpu.wait_indirect_dma semaphore(%arg7 : memref<!tpu.dma_semaphore, #tpu.memory_space<semaphore_mem>>) src(%dma_wait3A_72 : memref<1024x128xf32, #tpu.memory_space<hbm>>) dst(%dma_wait3A_67 : memref<96x128xf32, #tpu.memory_space<vmem>>)
    %dma_wait3A_73 = arith.constant 288 : i32
    %dma_wait3A_74 = arith.constant 0 : i32
    %dma_wait3A_75 = tpu.memref_slice %arg6[%dma_wait3A_73, %dma_wait3A_74] : memref<576x128xf32, #tpu.memory_space<vmem>> -> memref<96x128xf32, #tpu.memory_space<vmem>>
    %dma_wait3A_76 = arith.constant 288 : i32
    %dma_wait3A_77 = tpu.memref_slice %arg5[%dma_wait3A_76] : memref<576xi32, #tpu.memory_space<vmem>> -> memref<96xi32, #tpu.memory_space<vmem>>
    %dma_wait3A_78 = arith.constant 0 : i32
    %dma_wait3A_79 = arith.constant 0 : i32
    %dma_wait3A_80 = tpu.memref_slice %arg2[%dma_wait3A_78, %dma_wait3A_79] : memref<1024x128xf32, #tpu.memory_space<hbm>> -> memref<1024x128xf32, #tpu.memory_space<hbm>>
    tpu.wait_indirect_dma semaphore(%arg7 : memref<!tpu.dma_semaphore, #tpu.memory_space<semaphore_mem>>) src(%dma_wait3A_80 : memref<1024x128xf32, #tpu.memory_space<hbm>>) dst(%dma_wait3A_75 : memref<96x128xf32, #tpu.memory_space<vmem>>)
    %dma_wait3A_81 = arith.constant 384 : i32
    %dma_wait3A_82 = arith.constant 0 : i32
    %dma_wait3A_83 = tpu.memref_slice %arg6[%dma_wait3A_81, %dma_wait3A_82] : memref<576x128xf32, #tpu.memory_space<vmem>> -> memref<96x128xf32, #tpu.memory_space<vmem>>
    %dma_wait3A_84 = arith.constant 384 : i32
    %dma_wait3A_85 = tpu.memref_slice %arg5[%dma_wait3A_84] : memref<576xi32, #tpu.memory_space<vmem>> -> memref<96xi32, #tpu.memory_space<vmem>>
    %dma_wait3A_86 = arith.constant 0 : i32
    %dma_wait3A_87 = arith.constant 0 : i32
    %dma_wait3A_88 = tpu.memref_slice %arg2[%dma_wait3A_86, %dma_wait3A_87] : memref<1024x128xf32, #tpu.memory_space<hbm>> -> memref<1024x128xf32, #tpu.memory_space<hbm>>
    tpu.wait_indirect_dma semaphore(%arg7 : memref<!tpu.dma_semaphore, #tpu.memory_space<semaphore_mem>>) src(%dma_wait3A_88 : memref<1024x128xf32, #tpu.memory_space<hbm>>) dst(%dma_wait3A_83 : memref<96x128xf32, #tpu.memory_space<vmem>>)
    %dma_wait3A_89 = arith.constant 480 : i32
    %dma_wait3A_90 = arith.constant 0 : i32
    %dma_wait3A_91 = tpu.memref_slice %arg6[%dma_wait3A_89, %dma_wait3A_90] : memref<576x128xf32, #tpu.memory_space<vmem>> -> memref<96x128xf32, #tpu.memory_space<vmem>>
    %dma_wait3A_92 = arith.constant 480 : i32
    %dma_wait3A_93 = tpu.memref_slice %arg5[%dma_wait3A_92] : memref<576xi32, #tpu.memory_space<vmem>> -> memref<96xi32, #tpu.memory_space<vmem>>
    %dma_wait3A_94 = arith.constant 0 : i32
    %dma_wait3A_95 = arith.constant 0 : i32
    %dma_wait3A_96 = tpu.memref_slice %arg2[%dma_wait3A_94, %dma_wait3A_95] : memref<1024x128xf32, #tpu.memory_space<hbm>> -> memref<1024x128xf32, #tpu.memory_space<hbm>>
    tpu.wait_indirect_dma semaphore(%arg7 : memref<!tpu.dma_semaphore, #tpu.memory_space<semaphore_mem>>) src(%dma_wait3A_96 : memref<1024x128xf32, #tpu.memory_space<hbm>>) dst(%dma_wait3A_91 : memref<96x128xf32, #tpu.memory_space<vmem>>)
    "tpu.region"() ({
      %run_scoped3A = tpu.sem_alloc : memref<!tpu.dma_semaphore, #tpu.memory_space<semaphore_mem>>
      %dma_start3A_97 = arith.constant 0 : i32
      %dma_start3A_98 = tpu.memref_slice %arg4[%mul3A_2, %dma_start3A_97] : memref<18432x128xf32, #tpu.memory_space<hbm>> -> memref<576x128xf32, #tpu.memory_space<hbm>>
      %dma_start3A_99 = arith.constant 0 : i32
      %dma_start3A_100 = tpu.memref_slice %arg4[%mul3A_2, %dma_start3A_99] : memref<18432x128xf32, #tpu.memory_space<hbm>> -> memref<576x128xf32, #tpu.memory_space<hbm>>
      tpu.enqueue_dma source(%arg6 : memref<576x128xf32, #tpu.memory_space<vmem>>) target(%dma_start3A_100 : memref<576x128xf32, #tpu.memory_space<hbm>>) target_semaphore(%run_scoped3A : memref<!tpu.dma_semaphore, #tpu.memory_space<semaphore_mem>>)
      %dma_wait3A_101 = arith.constant 0 : i32
      %dma_wait3A_102 = tpu.memref_slice %arg4[%mul3A_2, %dma_wait3A_101] : memref<18432x128xf32, #tpu.memory_space<hbm>> -> memref<576x128xf32, #tpu.memory_space<hbm>>
      %dma_wait3A_103 = arith.constant 0 : i32
      %dma_wait3A_104 = tpu.memref_slice %arg4[%mul3A_2, %dma_wait3A_103] : memref<18432x128xf32, #tpu.memory_space<hbm>> -> memref<576x128xf32, #tpu.memory_space<hbm>>
      tpu.wait_dma2 semaphore(%run_scoped3A : memref<!tpu.dma_semaphore, #tpu.memory_space<semaphore_mem>>) src(%arg6 : memref<576x128xf32, #tpu.memory_space<vmem>>) dst(%dma_wait3A_104 : memref<576x128xf32, #tpu.memory_space<hbm>>)
      tpu.yield
    }) : () -> ()
    return
  }
}

module attributes {stable_mosaic.version = 14 : i64} {
  func.func @_tc_body(%arg0: i32, %arg1: memref<4608x64xf32, #tpu.memory_space<vmem>>, %arg2: memref<1024x64xf32, #tpu.memory_space<vmem>>, %arg3: memref<1x1024xf32, #tpu.memory_space<vmem>>, %arg4: memref<4608x1xf32, #tpu.memory_space<vmem>>, %arg5: memref<1x1024xf32, #tpu.memory_space<vmem>>, %arg6: memref<1x1x4608xi32, #tpu.memory_space<vmem>>, %arg7: memref<1x1xf32, #tpu.memory_space<smem>>, %arg8: memref<1x1xf32, #tpu.memory_space<smem>>, %arg9: memref<1x1024xf32, #tpu.memory_space<vmem>>, %arg10: memref<1x1xf32, #tpu.memory_space<smem>>) attributes {dimension_semantics = [#tpu.dimension_semantics<arbitrary>], iteration_bounds = array<i64: 4>, scalar_prefetch = 0 : i64, scratch_operands = 2 : i64, tpu.core_type = #tpu.core_type<tc>, window_params = [{transform_indices = @transform_0, window_bounds = array<i64: 4608, 64>}, {pipeline_mode = #tpu.pipeline_mode<synchronous>, transform_indices = @transform_1, window_bounds = array<i64: 1024, 64>}, {pipeline_mode = #tpu.pipeline_mode<synchronous>, transform_indices = @transform_2, window_bounds = array<i64: 1, 1024>}, {transform_indices = @transform_3, window_bounds = array<i64: 4608, 1>}, {pipeline_mode = #tpu.pipeline_mode<synchronous>, transform_indices = @transform_4, window_bounds = array<i64: 1, 1024>}, {transform_indices = @transform_5, window_bounds = array<i64: 1, 1, 4608>}, {transform_indices = @transform_6, window_bounds = array<i64: 1, 1>}, {transform_indices = @transform_7, window_bounds = array<i64: 1, 1>}]} {
    %eq3A = arith.constant 0 : i32
    %eq3A_0 = arith.cmpi eq, %arg0, %eq3A : i32
    %convert_element_type3A = arith.extui %eq3A_0 : i1 to i32
    %cond3A = arith.constant 0 : i32
    %cond3A_1 = arith.cmpi ne, %convert_element_type3A, %cond3A : i32
    scf.if %cond3A_1 {
      %broadcast_in_dim3A_70 = arith.constant 0.000000e+00 : f32
      %broadcast_in_dim3A_71 = vector.broadcast %broadcast_in_dim3A_70 : f32 to vector<1x1024xf32>
      %swap3A_72 = arith.constant 0 : index
      %swap3A_73 = arith.constant 0 : index
      %swap3A_74 = vector.load %arg9[%swap3A_72, %swap3A_73] : memref<1x1024xf32, #tpu.memory_space<vmem>>, vector<1x1024xf32>
      tpu.vector_store %arg9[%swap3A_72, %swap3A_73], %broadcast_in_dim3A_71 {strides = array<i32>} : memref<1x1024xf32, #tpu.memory_space<vmem>>, vector<1x1024xf32>,
      %swap3A_75 = arith.constant 0.000000e+00 : f32
      %swap3A_76 = arith.constant 0 : index
      %swap3A_77 = arith.constant 0 : index
      %swap3A_78 = memref.load %arg10[%swap3A_76, %swap3A_77] : memref<1x1xf32, #tpu.memory_space<smem>>
      memref.store %swap3A_75, %arg10[%swap3A_76, %swap3A_77] : memref<1x1xf32, #tpu.memory_space<smem>>
    } else {
    }
    %get3A = arith.constant 0 : index
    %get3A_2 = arith.constant 0 : index
    %get3A_3 = vector.load %arg1[%get3A, %get3A_2] : memref<4608x64xf32, #tpu.memory_space<vmem>>, vector<4608x64xf32>
    %get3A_4 = arith.constant 0 : index
    %get3A_5 = arith.constant 0 : index
    %get3A_6 = vector.load %arg2[%get3A_4, %get3A_5] : memref<1024x64xf32, #tpu.memory_space<vmem>>, vector<1024x64xf32>
    %get3A_7 = arith.constant 0 : index
    %get3A_8 = arith.constant 0 : index
    %get3A_9 = vector.load %arg3[%get3A_7, %get3A_8] : memref<1x1024xf32, #tpu.memory_space<vmem>>, vector<1x1024xf32>
    %get3A_10 = arith.constant 0 : index
    %get3A_11 = arith.constant 0 : index
    %get3A_12 = vector.load %arg4[%get3A_10, %get3A_11] : memref<4608x1xf32, #tpu.memory_space<vmem>>, vector<4608x1xf32>
    %get3A_13 = arith.constant 0 : index
    %get3A_14 = arith.constant 0 : index
    %get3A_15 = vector.load %arg5[%get3A_13, %get3A_14] : memref<1x1024xf32, #tpu.memory_space<vmem>>, vector<1x1024xf32>
    %squeeze3A = vector.shape_cast %get3A_15 : vector<1x1024xf32> to vector<1024xf32>
    %dot_general3A = arith.constant dense<0.000000e+00> : vector<4608x1024xf32>
    %dot_general3A_16 = tpu.matmul %get3A_3, %get3A_6, %dot_general3A {dimension_numbers = #tpu.dot_dimension_numbers<[1], [1], [0], [0], [0, 0, 1, 0], [], []>, transpose_lhs_hint = false} : vector<4608x64xf32>, vector<1024x64xf32>, vector<4608x1024xf32> -> vector<4608x1024xf32>
    %broadcast_in_dim3A = vector.shape_cast %squeeze3A : vector<1024xf32> to vector<1x1024xf32>
    %add3A = vector.broadcast %get3A_12 : vector<4608x1xf32> to vector<4608x1024xf32>
    %add3A_17 = vector.broadcast %broadcast_in_dim3A : vector<1x1024xf32> to vector<4608x1024xf32>
    %add3A_18 = arith.addf %add3A, %add3A_17 : vector<4608x1024xf32>
    %mul3A = arith.constant 2.000000e+00 : f32
    %mul3A_19 = vector.broadcast %mul3A : f32 to vector<4608x1024xf32>
    %mul3A_20 = arith.mulf %mul3A_19, %dot_general3A_16 : vector<4608x1024xf32>
    %sub3A = arith.subf %add3A_18, %mul3A_20 : vector<4608x1024xf32>
    %reduce_min3A = arith.constant dense<0x7F800000> : vector<4608xf32>
    %reduce_min3A_21 = vector.multi_reduction <minimumf>, %sub3A, %reduce_min3A [1] : vector<4608x1024xf32> to vector<4608xf32>
    %broadcast_in_dim3A_22 = vector.shape_cast %reduce_min3A_21 : vector<4608xf32> to vector<4608x1xf32>
    %get3A_23 = arith.constant 0 : index
    %get3A_24 = arith.constant 0 : index
    %get3A_25 = memref.load %arg10[%get3A_23, %get3A_24] : memref<1x1xf32, #tpu.memory_space<smem>>
    %reduce_sum3A = vector.shape_cast %broadcast_in_dim3A_22 : vector<4608x1xf32> to vector<1x4608x1xf32>
    %reduce_sum3A_26 = arith.constant dense<0.000000e+00> : vector<1xf32>
    %reduce_sum3A_27 = vector.multi_reduction <add>, %reduce_sum3A, %reduce_sum3A_26 [1, 2] : vector<1x4608x1xf32> to vector<1xf32>
    %reduce_sum3A_28 = vector.shape_cast %reduce_sum3A_27 : vector<1xf32> to vector<1x1x1xf32>
    %reduce_sum3A_29 = vector.extract %reduce_sum3A_28[0, 0, 0] : f32 from vector<1x1x1xf32>
    %add3A_30 = arith.addf %get3A_25, %reduce_sum3A_29 : f32
    %swap3A = arith.constant 0 : index
    %swap3A_31 = arith.constant 0 : index
    %swap3A_32 = memref.load %arg10[%swap3A, %swap3A_31] : memref<1x1xf32, #tpu.memory_space<smem>>
    memref.store %add3A_30, %arg10[%swap3A, %swap3A_31] : memref<1x1xf32, #tpu.memory_space<smem>>
    %eq3A_33 = vector.broadcast %broadcast_in_dim3A_22 : vector<4608x1xf32> to vector<4608x1024xf32>
    %eq3A_34 = arith.cmpf oeq, %sub3A, %eq3A_33 : vector<4608x1024xf32>
    %jit3A = arith.constant 1.024000e+03 : f32
    %broadcast_in_dim3A_35 = vector.shape_cast %get3A_9 : vector<1x1024xf32> to vector<1x1024xf32>
    %broadcast_in_dim3A_36 = vector.broadcast %broadcast_in_dim3A_35 : vector<1x1024xf32> to vector<4608x1024xf32>
    %broadcast_in_dim3A_37 = vector.broadcast %jit3A : f32 to vector<4608x1024xf32>
    %select_n3A = arith.select %eq3A_34, %broadcast_in_dim3A_36, %broadcast_in_dim3A_37 : vector<4608x1024xi1>, vector<4608x1024xf32>
    %reduce_min3A_38 = arith.constant dense<0x7F800000> : vector<4608xf32>
    %reduce_min3A_39 = vector.multi_reduction <minimumf>, %select_n3A, %reduce_min3A_38 [1] : vector<4608x1024xf32> to vector<4608xf32>
    %broadcast_in_dim3A_40 = vector.shape_cast %reduce_min3A_39 : vector<4608xf32> to vector<4608x1xf32>
    %squeeze3A_41 = vector.shape_cast %broadcast_in_dim3A_40 : vector<4608x1xf32> to vector<4608xf32>
    %convert_element_type3A_42 = arith.fptosi %squeeze3A_41 : vector<4608xf32> to vector<4608xi32>
    %swap3A_43 = arith.constant 0 : index
    %swap3A_44 = arith.constant 0 : index
    %swap3A_45 = arith.constant 0 : index
    %swap3A_46 = vector.load %arg6[%swap3A_43, %swap3A_44, %swap3A_45] : memref<1x1x4608xi32, #tpu.memory_space<vmem>>, vector<1x1x4608xi32>
    %swap3A_47 = vector.shape_cast %swap3A_46 : vector<1x1x4608xi32> to vector<4608xi32>
    %swap3A_48 = vector.shape_cast %convert_element_type3A_42 : vector<4608xi32> to vector<1x1x4608xi32>
    tpu.vector_store %arg6[%swap3A_43, %swap3A_44, %swap3A_45], %swap3A_48 {strides = array<i32>} : memref<1x1x4608xi32, #tpu.memory_space<vmem>>, vector<1x1x4608xi32>,
    %eq3A_49 = vector.broadcast %broadcast_in_dim3A_40 : vector<4608x1xf32> to vector<4608x1024xf32>
    %eq3A_50 = vector.broadcast %get3A_9 : vector<1x1024xf32> to vector<4608x1024xf32>
    %eq3A_51 = arith.cmpf oeq, %eq3A_49, %eq3A_50 : vector<4608x1024xf32>
    %convert_element_type3A_52 = arith.extui %eq3A_51 : vector<4608x1024xi1> to vector<4608x1024xi32>
    %convert_element_type3A_53 = arith.sitofp %convert_element_type3A_52 : vector<4608x1024xi32> to vector<4608x1024xf32>
    %broadcast_in_dim3A_54 = arith.constant 1.000000e+00 : f32
    %broadcast_in_dim3A_55 = vector.broadcast %broadcast_in_dim3A_54 : f32 to vector<1x4608xf32>
    %get3A_56 = arith.constant 0 : index
    %get3A_57 = arith.constant 0 : index
    %get3A_58 = vector.load %arg9[%get3A_56, %get3A_57] : memref<1x1024xf32, #tpu.memory_space<vmem>>, vector<1x1024xf32>
    %dot_general3A_59 = arith.constant dense<0.000000e+00> : vector<1x1024xf32>
    %dot_general3A_60 = tpu.matmul %broadcast_in_dim3A_55, %convert_element_type3A_53, %dot_general3A_59 {dimension_numbers = #tpu.dot_dimension_numbers<[1], [0], [0], [1], [0, 0, 1, 1], [], []>, transpose_lhs_hint = false} : vector<1x4608xf32>, vector<4608x1024xf32>, vector<1x1024xf32> -> vector<1x1024xf32>
    %add3A_61 = arith.addf %get3A_58, %dot_general3A_60 : vector<1x1024xf32>
    %swap3A_62 = arith.constant 0 : index
    %swap3A_63 = arith.constant 0 : index
    %swap3A_64 = vector.load %arg9[%swap3A_62, %swap3A_63] : memref<1x1024xf32, #tpu.memory_space<vmem>>, vector<1x1024xf32>
    tpu.vector_store %arg9[%swap3A_62, %swap3A_63], %add3A_61 {strides = array<i32>} : memref<1x1024xf32, #tpu.memory_space<vmem>>, vector<1x1024xf32>,
    %eq3A_65 = arith.constant 3 : i32
    %eq3A_66 = arith.cmpi eq, %arg0, %eq3A_65 : i32
    %convert_element_type3A_67 = arith.extui %eq3A_66 : i1 to i32
    %cond3A_68 = arith.constant 0 : i32
    %cond3A_69 = arith.cmpi ne, %convert_element_type3A_67, %cond3A_68 : i32
    scf.if %cond3A_69 {
      %get3A_70 = arith.constant 0 : index
      %get3A_71 = arith.constant 0 : index
      %get3A_72 = memref.load %arg10[%get3A_70, %get3A_71] : memref<1x1xf32, #tpu.memory_space<smem>>
      %div3A = arith.constant 0x49900000 : f32
      %div3A_73 = arith.divf %get3A_72, %div3A : f32
      %mul3A_74 = arith.constant 2.500000e-01 : f32
      %mul3A_75 = arith.mulf %mul3A_74, %div3A_73 : f32
      %add3A_76 = arith.addf %div3A_73, %mul3A_75 : f32
      %swap3A_77 = arith.constant 0 : index
      %swap3A_78 = arith.constant 0 : index
      %swap3A_79 = memref.load %arg7[%swap3A_77, %swap3A_78] : memref<1x1xf32, #tpu.memory_space<smem>>
      memref.store %add3A_76, %arg7[%swap3A_77, %swap3A_78] : memref<1x1xf32, #tpu.memory_space<smem>>
      %get3A_80 = arith.constant 0 : index
      %get3A_81 = arith.constant 0 : index
      %get3A_82 = vector.load %arg9[%get3A_80, %get3A_81] : memref<1x1024xf32, #tpu.memory_space<vmem>>, vector<1x1024xf32>
      %div3A_83 = arith.constant 1.843200e+04 : f32
      %div3A_84 = vector.broadcast %div3A_83 : f32 to vector<1x1024xf32>
      %div3A_85 = arith.divf %get3A_82, %div3A_84 : vector<1x1024xf32>
      %add3A_86 = arith.constant 1.000000e-10 : f32
      %add3A_87 = vector.broadcast %add3A_86 : f32 to vector<1x1024xf32>
      %add3A_88 = arith.addf %div3A_85, %add3A_87 : vector<1x1024xf32>
      %log3A = math.log %add3A_88 : vector<1x1024xf32>
      %mul3A_89 = arith.mulf %div3A_85, %log3A : vector<1x1024xf32>
      %reduce_sum3A_90 = vector.shape_cast %mul3A_89 : vector<1x1024xf32> to vector<1x1x1024xf32>
      %reduce_sum3A_91 = arith.constant dense<0.000000e+00> : vector<1xf32>
      %reduce_sum3A_92 = vector.multi_reduction <add>, %reduce_sum3A_90, %reduce_sum3A_91 [1, 2] : vector<1x1x1024xf32> to vector<1xf32>
      %reduce_sum3A_93 = vector.shape_cast %reduce_sum3A_92 : vector<1xf32> to vector<1x1x1xf32>
      %reduce_sum3A_94 = vector.extract %reduce_sum3A_93[0, 0, 0] : f32 from vector<1x1x1xf32>
      %neg3A = arith.constant 0.000000e+00 : f32
      %neg3A_95 = arith.subf %neg3A, %reduce_sum3A_94 : f32
      %exp3A = math.exp %neg3A_95 : f32
      %swap3A_96 = arith.constant 0 : index
      %swap3A_97 = arith.constant 0 : index
      %swap3A_98 = memref.load %arg8[%swap3A_96, %swap3A_97] : memref<1x1xf32, #tpu.memory_space<smem>>
      memref.store %exp3A, %arg8[%swap3A_96, %swap3A_97] : memref<1x1xf32, #tpu.memory_space<smem>>
    } else {
    }
    return
  }
  func.func @transform_0(%arg0: i32) -> (i32, i32) {
    %c0_i32 = arith.constant 0 : i32
    %c0_i32_0 = arith.constant 0 : i32
    return %arg0, %c0_i32 : i32, i32
  }
  func.func @transform_1(%arg0: i32) -> (i32, i32) {
    %c0_i32 = arith.constant 0 : i32
    %c0_i32_0 = arith.constant 0 : i32
    %c0_i32_1 = arith.constant 0 : i32
    return %c0_i32, %c0_i32_0 : i32, i32
  }
  func.func @transform_2(%arg0: i32) -> (i32, i32) {
    %c0_i32 = arith.constant 0 : i32
    %c0_i32_0 = arith.constant 0 : i32
    %c0_i32_1 = arith.constant 0 : i32
    return %c0_i32, %c0_i32_0 : i32, i32
  }
  func.func @transform_3(%arg0: i32) -> (i32, i32) {
    %c0_i32 = arith.constant 0 : i32
    %c0_i32_0 = arith.constant 0 : i32
    return %arg0, %c0_i32 : i32, i32
  }
  func.func @transform_4(%arg0: i32) -> (i32, i32) {
    %c0_i32 = arith.constant 0 : i32
    %c0_i32_0 = arith.constant 0 : i32
    %c0_i32_1 = arith.constant 0 : i32
    return %c0_i32, %c0_i32_0 : i32, i32
  }
  func.func @transform_5(%arg0: i32) -> (i32, i32, i32) {
    %c0_i32 = arith.constant 0 : i32
    %c0_i32_0 = arith.constant 0 : i32
    %c0_i32_1 = arith.constant 0 : i32
    return %arg0, %c0_i32, %c0_i32_0 : i32, i32, i32
  }
  func.func @transform_6(%arg0: i32) -> (i32, i32) {
    %c0_i32 = arith.constant 0 : i32
    %c0_i32_0 = arith.constant 0 : i32
    %c0_i32_1 = arith.constant 0 : i32
    return %c0_i32, %c0_i32_0 : i32, i32
  }
  func.func @transform_7(%arg0: i32) -> (i32, i32) {
    %c0_i32 = arith.constant 0 : i32
    %c0_i32_0 = arith.constant 0 : i32
    %c0_i32_1 = arith.constant 0 : i32
    return %c0_i32, %c0_i32_0 : i32, i32
  }
}

</mosaic_0001>

<sc_bundles>
// kernel: kernel.4.cloned.1.call-start
scs
__scs_entry_jumppad:
0x0: {  	(pc) =	sbr.rel $0x88, $3  }
0x1: {  	(tag) =	ssettag $0x0;
	lr =	simm.s32 $0x1  }
0x2: {  	[smem:$0x3F9F] =	sst lr;
	_ =	strace $0xD0000000  }
0x3: {  	_ = 	snop  }
0x4: {  	_ = 	snop  }
0x5: {  	_ = 	snop  }
0x6: {  	_ = 	snop  }
0x7: {  	_ = 	snop  }
__scs_overlays_trampoline_lowered:
0x8: {  	[smem:$0x3FAE] =	sst s0  }
0x9: {  	[smem:$0x3FAF] =	sst s1  }
0xa: {  	[smem:$0x3FB0] =	sst s2  }
0xb: {  	[smem:$0x3FB1] =	sst s3  }
0xc: {  	[smem:$0x3FB2] =	sst s4  }
0xd: {  	[smem:$0x3FB3] =	sst s5  }
0xe: {  	[smem:$0x3FB4] =	sst s6  }
0xf: {  	[smem:$0x3FB5] =	sst s7  }
0x10: {  	[smem:$0x3FB6] =	sst s8  }
0x11: {  	[smem:$0x3FB7] =	sst s9;
	s0 =	simm.s32 @!p0 $0x0  }
0x12: {  	s1 =	sld [smem:$0x3F9D];
	s0 =	simm.s32 @p0 $0x1  }
0x13: {  	[smem:$0x3FB8] =	sst s0;
	s0 =	simm.s32 @!p1 $0x0  }
0x14: {  	s2 =	sld [smem:$0x3F9C];
	s0 =	simm.s32 @p1 $0x1  }
0x15: {  	[smem:$0x3FB9] =	sst s0;
	s0 =	simm.s32 @!p2 $0x0  }
0x16: {  	s3 =	sld [smem:$0x3FDB];
	s0 =	simm.s32 @p2 $0x1  }
0x17: {  	s4 =	simm.s32 $0x1BF5;
	[smem:$0x3FBB] =	sst s0  }
0x18: {  	s0 =	sld [smem:$0x3F9E];
	_ =	swait.ge [sflag:s4], $0x0  }
0x19: {  	s7 =	sld [smem:$0x3F9F]  }
0x1a: {  	s8 =	sadd.s32 $0xFFFFE003, lr  }
0x1b: {  	s9 =	sadd.s32 $0xFFFFFEF7, lr;
	s5 =	simm.s32 $0xFFFFFFFF;
	p2 =	slt.u32 s8, $0xFFFFF086  }
0x1c: {  	p1 =	slt.u32 s9, $0xF7A;
	s5 =	simm.s32 @!p2 $0x0  }
0x1d: {  	s5 =	simm.s32 @p1 $0x1;
	p0 =	seq.s32 s7, s2  }
0x1e: {  	s7 =	smul.u32 @!p0 $0xF7A, s2;
	p2 =	seq.s32 @!p0 s5, $0x0  }
0x1f: {  	s9 =	smul.u32 $0xF7A, s1;
	s8 =	simm.s32 @!p0 $0x1BF5;
	p2 =	por !p2, p0  }
0x20: {  	[sflag:s8] =	ssyncset.s32 @!p0 $0xFFFFF086;
	s6 =	sadd.s32 @!p0 s3, s7;
	s7 =	simm.s32 @!p0 $0x108  }
0x21: {  	s3 =	sadd.s32 s3, s9;
	s6 =	sadd.s32 @!p0 $0x88, s6;
	s7 =	simm.s32 @p2 $0x1082  }
0x22: {  	[simem:s7], [sflag:s8] =	dma.local @!p0 [hbm:s6], $0xF7A  }
0x23: {  	s9 =	sor.u32 $0xD0000000, s2;
	s6 =	simm.s32 $0x108;
	_ =	swait.ge @!p0 [sflag:s8], $0x0  }
0x24: {  	s3 =	sadd.s32 $0x88, s3;
	s6 =	simm.s32 @!p1 $0x1082;
	[sflag:s4] =	ssyncset.s32 $0xFFFFF086  }
0x25: {  	[simem:s6], [sflag:s4] =	dma.local [hbm:s3], $0xF7A  }
0x26: {  	[smem:$0x3F9F] =	sst s1;
	(tag) =	ssettag s2;
	_ =	strace s9  }
0x27: {  	s1 =	sld [smem:$0x3FAF]  }
0x28: {  	s2 =	sld [smem:$0x3FB0]  }
0x29: {  	s4 =	sld [smem:$0x3FB2]  }
0x2a: {  	p0 =	seq.s32 s5, $0x0;
	s5 =	sld [smem:$0x3FB3]  }
0x2b: {  	s6 =	sld [smem:$0x3FB4]  }
0x2c: {  	s7 =	sld [smem:$0x3FB5]  }
0x2d: {  	s3 =	simm.s32 $0x108;
	s8 =	sld [smem:$0x3FB6]  }
0x2e: {  	s3 =	simm.s32 @!p0 $0x1082;
	s9 =	sld [smem:$0x3FB7]  }
0x2f: {  	lr =	sadd.s32 s0, s3;
	s0 =	sld [smem:$0x3FAE]  }
0x30: {  	s3 =	sld [smem:$0x3FB1]  }
0x31: {  	[smem:$0x3FBA] =	sst s10  }
0x32: {  	s10 =	sld [smem:$0x3FB8];
	_ =	sdelay $0x3  }
0x33: {  	p0 =	seq.s32 s10, $0x1;
	s10 =	sld [smem:$0x3FBA];
	_ =	sdelay $0x3  }
0x34: {  	[smem:$0x3FBA] =	sst s10  }
0x35: {  	s10 =	sld [smem:$0x3FB9];
	_ =	sdelay $0x3  }
0x36: {  	p1 =	seq.s32 s10, $0x1;
	s10 =	sld [smem:$0x3FBA];
	_ =	sdelay $0x3  }
0x37: {  	[smem:$0x3FBA] =	sst s10  }
0x38: {  	s10 =	sld [smem:$0x3FBB]  }
0x39: {  	_ = 	snop;
	(pc) =	sbr.ind lr, $3  }
0x3a: {  	_ = 	snop  }
0x3b: {  	_ = 	snop  }
0x3c: {  	p2 =	seq.s32 s10, $0x1;
	s10 =	sld [smem:$0x3FBA]  }
0x3d: {  	_ =	shalt  }
0x3e: {  	_ =	shalt  }
0x3f: {  	_ =	shalt  }
0x40: {  	_ =	shalt  }
0x41: {  	_ =	shalt  }
0x42: {  	_ =	shalt  }
0x43: {  	_ =	shalt  }
0x44: {  	_ =	shalt  }
0x45: {  	_ =	shalt  }
0x46: {  	_ =	shalt  }
0x47: {  	_ =	shalt  }
0x48: {  	_ =	shalt  }
0x49: {  	_ =	shalt  }
0x4a: {  	_ =	shalt  }
0x4b: {  	_ =	shalt  }
0x4c: {  	_ =	shalt  }
0x4d: {  	_ =	shalt  }
0x4e: {  	_ =	shalt  }
0x4f: {  	_ =	shalt  }
0x50: {  	_ =	shalt  }
0x51: {  	_ =	shalt  }
0x52: {  	_ =	shalt  }
0x53: {  	_ =	shalt  }
0x54: {  	_ =	shalt  }
0x55: {  	_ =	shalt  }
0x56: {  	_ =	shalt  }
0x57: {  	_ =	shalt  }
0x58: {  	_ =	shalt  }
0x59: {  	_ =	shalt  }
0x5a: {  	_ =	shalt  }
0x5b: {  	_ =	shalt  }
0x5c: {  	_ =	shalt  }
0x5d: {  	_ =	shalt  }
0x5e: {  	_ =	shalt  }
0x5f: {  	_ =	shalt  }
0x60: {  	_ =	shalt  }
0x61: {  	_ =	shalt  }
0x62: {  	_ =	shalt  }
0x63: {  	_ =	shalt  }
0x64: {  	_ =	shalt  }
0x65: {  	_ =	shalt  }
0x66: {  	_ =	shalt  }
0x67: {  	_ =	shalt  }
0x68: {  	_ =	shalt  }
0x69: {  	_ =	shalt  }
0x6a: {  	_ =	shalt  }
0x6b: {  	_ =	shalt  }
0x6c: {  	_ =	shalt  }
0x6d: {  	_ =	shalt  }
0x6e: {  	_ =	shalt  }
0x6f: {  	_ =	shalt  }
0x70: {  	_ =	shalt  }
0x71: {  	_ =	shalt  }
0x72: {  	_ =	shalt  }
0x73: {  	_ =	shalt  }
0x74: {  	_ =	shalt  }
0x75: {  	_ =	shalt  }
0x76: {  	_ =	shalt  }
0x77: {  	_ =	shalt  }
0x78: {  	_ =	shalt  }
0x79: {  	_ =	shalt  }
0x7a: {  	_ =	shalt  }
0x7b: {  	_ =	shalt  }
0x7c: {  	_ =	shalt  }
0x7d: {  	_ =	shalt  }
0x7e: {  	_ =	shalt  }
0x7f: {  	_ =	shalt  }
0x80: {  	_ =	shalt  }
0x81: {  	_ =	shalt  }
0x82: {  	_ =	shalt  }
0x83: {  	_ =	shalt  }
0x84: {  	_ =	shalt  }
0x85: {  	_ =	shalt  }
0x86: {  	_ =	shalt  }
0x87: {  	_ =	shalt  }
.Lfunc_end0:
.L_simem_size_0:
called_computation_lowered:
.L_overlay_start_0:
0x88: {  	s2 =	sld [smem:$0x3FD9]  }
0x89: {  	s3 =	sld [smem:$0x3FFE];
	_ =	sdelay $0x1  }
0x8a: {  	s1 =	srdreg.scid  }
0x8b: {  	s0 =	sand.u32 $0x1, s1  }
0x8c: {  	s14 =	sshll.u32 s0, $0xA;
	s2 =	sadd.s32 s3, s2  }
0x8d: {  	s2 =	sadd.s32 s2, s14  }
0x8e: {  	[smem:$0x3FC6] =	sst s2  }
0x8f: {  	_ = 	snop  }
0x90: {  	s2 =	sld [smem:$0x3FD0];
	_ =	sdelay $0x2  }
0x91: {  	s15 =	simm.s32 $0xA;
	s4 =	simm.s32 $0x10  }
0x92: {  	[smem:s4], [sflag:s15] =	dma.local [hbm:s2], $0x1  }
0x93: {  	_ =	swait.eq [sflag:s15], $0x1  }
0x94: {  	[sflag:s15] =	ssyncset.done $0x0  }
0x95: {  	[sflag:s15] =	ssyncadd.s32 $0xFFFFFFFF  }
0x96: {  	s16 =	sld [smem:$0x11];
	(tm) =	ssettm $0x1  }
0x97: {  	s17 =	sld [smem:$0x3FFB];
	_ =	sdelay $0x3  }
0x98: {  	_ =	strace s17  }
0x99: {  	s3 =	sld [smem:$0x3FFC];
	_ =	sdelay $0x3  }
0x9a: {  	_ =	strace s3  }
0x9b: {  	s3 =	sld [smem:$0x3FFD];
	_ =	sdelay $0x3  }
0x9c: {  	_ =	strace s3  }
0x9d: {  	_ =	strace $0x8FFFFFFF  }
0x9e: {  	s18 =	sld [smem:$0x3FDB];
	_ =	sdelay $0x1  }
0x9f: {  	s19 =	simm.s32 $_scs_section_size  }
0xa0: {  	s5 =	simm.s32 $_size__tile_overlayer_lowered;
	s6 =	simm.s32 $_tile_overlayer_lowered  }
0xa1: {  	s22 =	simm.s32 $0x1BFF;
	s21 =	sshll.u32 s6, $0x1;
	s3 =	sadd.s32 s19, s18  }
0xa2: {  	s7 =	simm.s32 $0x0;
	s20 =	sshll.u32 s5, $0x1;
	s5 =	sadd.s32 s21, s3  }
0xa3: {  	[timem:s7], [sflag:s22] =	dma.local [hbm:s5], s20  }
0xa4: {  	_ =	swait.ge [sflag:s22], s20  }
0xa5: {  	s4 =	ssub.s32 $0x0, s20;
	[sflag:s22] =	ssyncset.done $0x0  }
0xa6: {  	[sflag:s22] =	ssyncadd.s32 s4;
	_ =	sdelay $0x1  }
0xa7: {  	s23 =	simm.s32 $0x1B8B  }
0xa8: {  	_ =	swait.ge [sflag:s23], $0x1  }
0xa9: {  	[sflag:s23] =	ssyncset.done $0x0  }
0xaa: {  	s25 =	simm.s32 $0x1B8E;
	s24 =	sld [smem:$0x3FFE];
	[sflag:s23] =	ssyncadd.s32 $0xFFFFFFFF  }
0xab: {  	s26 =	simm.s32 $execute0_lowered;
	[smem:$0x3FD2] =	sst s25  }
0xac: {  	s5 =	sshll.u32 s26, $0x1;
	_ =	strace $0x80000046;
	[dreg:$0x1] =	wrdreg $0xFFFFFFFF  }
0xad: {  	s28 =	simm.s32 $_size_execute0_lowered;
	s3 =	sadd.s32 s3, s5;
	[dreg:$0x0] =	wrdreg $0x0  }
0xae: {  	s5 =	sshll.u32 s28, $0x1;
	[dreg:$0x2] =	wrdreg s3  }
0xaf: {  	[dreg:$0x3] =	wrdreg s5  }
0xb0: {  	[dreg:$0x4] =	wrdreg $0xC0  }
0xb1: {  	_ =	task [dreg:s7], $0x5FFFF  }
0xb2: {  	[dreg:$0x1] =	wrdreg $0xFFFFFFFF  }
0xb3: {  	[dreg:$0x0] =	wrdreg $0x60  }
0xb4: {  	[dreg:$0x2] =	wrdreg s16  }
0xb5: {  	[dreg:$0x3] =	wrdreg s24  }
0xb6: {  	[dreg:$0x4] =	wrdreg $0x9  }
0xb7: {  	_ =	task.clear_ibuf [dreg:s7], $0x5FFFF;
	_ =	strace $0x90000046  }
0xb8: {  	s29 =	simm.s32 $0x9;
	_ =	strace $0x80000048  }
0xb9: {  	_ =	swait.ge [sflag:s29], $0x1  }
0xba: {  	[sflag:s29] =	ssyncadd.s32 $0xFFFFFFFF  }
0xbb: {  	_ =	strace $0x90000048  }
0xbc: {  	_ =	sfence  }
0xbd: {  	s30 =	sld [smem:$0x0];
	_ =	sdelay $0x2  }
0xbe: {  	s31 =	sshll.u32 s1, $0xD;
	s1 =	sshrl.u32 s1, $0x2  }
0xbf: {  	s3 =	sand.u32 $0x4000, s31;
	s1 =	sadd.s32 s1, s30  }
0xc0: {  	s0 =	sor.u32 s3, s0;
	s1 =	sshll.u32 s1, $0x11  }
0xc1: {  	s0 =	sor.u32 s1, s0  }
0xc2: {  	s0 =	sadd.s32 $0x8F2B, s0  }
0xc3: {  	[sflag:s0] =	ssyncadd.remote.s32 $0x1  }
0xc4: {  	_ =	sfence.sel $0xFFFF  }
0xc5: {  	[dreg:$0x0] =	wrdreg $0xFFFFFFFF;
	(pc) =	sbr.abs _section_cstart, $3  }
0xc6: {  	[dreg:$0x1] =	wrdreg $0xFFFFFFFF  }
0xc7: {  	_ =	task.clear_ibuf [dreg:s7], $0x2FFFF;
	_ =	strace $0x9FFFFFFF  }
0xc8: {  	(tm) =	ssettm $0x7FFFFFFF  }
0xc9: {  	_ =	shalt  }
tec
execute0_lowered:
.L_overlay_start_1:
0x0: {  	(tag) =	ssettag $0x1  }
0x1: {  	s1 =	srdreg.scid;
	s0 =	stileid.u32  }
0x2: {  	s2 =	rddreg [dreg:$0x0];
	s18 =	sand.u32 $0x1, s1;
	s29 =	sshll.u32 s0, $0x1  }
0x3: {  	s19 =	rddreg [dreg:$0x1];
	s20 =	sor.u32 s18, s29  }
0x4: {  	s3 =	simm.s32 $0x0;
	s1 =	rddreg [dreg:$0x2];
	s4 =	smul.u32 $0x48, s20  }
0x5: {  	[smem:$0x7FF] =	sst s3  }
0x6: {  	_ =	strace $0x80000047;
	s5 =	sadd.s32 s19, s4;
	s4 =	simm.s32 $0x2  }
0x7: {  	[tilespmem:s3], [sflag:$0x2] =	stream.linear.gather [hbm4b:s5+s3], $0x240, $0x38;
	[tilespmem:$0x12280] =	vst v63  }
0x8: {  	_ =	swait.ge [sflag:s4], $0x240  }
0x9: {  	[sflag:s4] =	ssyncset.done $0x0  }
0xa: {  	s6 =	simm.s32 $0x60;
	s7 =	simm.s32 $0x280;
	[sflag:s4] =	ssyncadd.s32 $0xFFFFFDC0  }
0xb: {  	[tilespmem:s7], [sflag:$0x1] =	stream.indirect.gather [hbm4b:s2+s6], $0x80, s3, s6, $0xb8;
	[tilespmem:$0x12280] =	vst v63  }
0xc: {  	s8 =	simm.s32 $0x3280  }
0xd: {  	[tilespmem:s8], [sflag:$0x1] =	stream.indirect.gather [hbm4b:s2+s6], $0x80, s6, s6, $0xb8;
	[tilespmem:$0x12280] =	vst v63  }
0xe: {  	s9 =	simm.s32 $0xC0;
	s10 =	simm.s32 $0x6280  }
0xf: {  	[tilespmem:s10], [sflag:$0x1] =	stream.indirect.gather [hbm4b:s2+s6], $0x80, s9, s6, $0xb8;
	[tilespmem:$0x12280] =	vst v63  }
0x10: {  	s11 =	simm.s32 $0x120;
	s12 =	simm.s32 $0x9280  }
0x11: {  	[tilespmem:s12], [sflag:$0x1] =	stream.indirect.gather [hbm4b:s2+s6], $0x80, s11, s6, $0xb8;
	[tilespmem:$0x12280] =	vst v63  }
0x12: {  	s13 =	simm.s32 $0x180;
	s14 =	simm.s32 $0xC280  }
0x13: {  	[tilespmem:s14], [sflag:$0x1] =	stream.indirect.gather [hbm4b:s2+s6], $0x80, s13, s6, $0xb8;
	[tilespmem:$0x12280] =	vst v63  }
0x14: {  	s15 =	simm.s32 $0x1E0;
	s16 =	simm.s32 $0xF280;
	s17 =	simm.s32 $0x1  }
0x15: {  	[tilespmem:s16], [sflag:$0x1] =	stream.indirect.gather [hbm4b:s2+s6], $0x80, s15, s6, $0xb8;
	[tilespmem:$0x12280] =	vst v63  }
0x16: {  	_ =	swait.ge [sflag:s17], $0x3000  }
0x17: {  	[sflag:s17] =	ssyncset.done $0x0  }
0x18: {  	[sflag:s17] =	ssyncadd.s32 $0xFFFFD000  }
0x19: {  	_ =	swait.ge [sflag:s17], $0x3000  }
0x1a: {  	[sflag:s17] =	ssyncset.done $0x0  }
0x1b: {  	[sflag:s17] =	ssyncadd.s32 $0xFFFFD000  }
0x1c: {  	_ =	swait.ge [sflag:s17], $0x3000  }
0x1d: {  	[sflag:s17] =	ssyncset.done $0x0  }
0x1e: {  	[sflag:s17] =	ssyncadd.s32 $0xFFFFD000  }
0x1f: {  	_ =	swait.ge [sflag:s17], $0x3000  }
0x20: {  	[sflag:s17] =	ssyncset.done $0x0  }
0x21: {  	s18 =	ssub.s32 $0x2, s18;
	[sflag:s17] =	ssyncadd.s32 $0xFFFFD000  }
0x22: {  	s21 =	sshrl.u32 s18, $0x1;
	_ =	swait.ge [sflag:s17], $0x3000  }
0x23: {  	s30 =	ssub.s32 s18, s21;
	[sflag:s17] =	ssyncset.done $0x0  }
0x24: {  	s20 =	smul.u32 $0x2400, s20;
	s31 =	smax.u32 s30, $0x1;
	[sflag:s17] =	ssyncadd.s32 $0xFFFFD000  }
0x25: {  	p0 =	sne.s32 s31, $0x1;
	_ =	swait.ge [sflag:s17], $0x3000  }
.Ltmp0:
0x26: {  	s19 =	sadd.s32 s20, s19;
	[sflag:s17] =	ssyncset.done $0x0;
	(pc) =	sbr.rel @!p0 .LBB2_2-.Ltmp0, $4  }
0x27: {  	s18 =	sadd.s32 $0xA00, s19;
	[sflag:s17] =	ssyncadd.s32 $0xFFFFD000  }
0x28: {  	[hbm4b:s18+s3] =	stream.linear.scatter [tilespmem:s7], [sflag:$0x2], $0x12000, $0x38;
	[tilespmem:$0x12280] =	vst v63  }
0x29: {  	_ =	swait.ge [sflag:s4], $0x12000  }
0x2a: {  	s19 =	sadd.s32 $0xFFFFFFFF, s31;
	[sflag:s4] =	ssyncset.done $0x0  }
.LBB2_1:
0x2b: {  	p0 =	sne.s32 s19, $0x1;
	s19 =	sadd.s32 $0xFFFFFFFF, s19;
	[sflag:s4] =	ssyncadd.s32 $0xFFFEE000  }
0x2c: {  	[tilespmem:s3], [sflag:$0x2] =	stream.linear.gather [hbm4b:s5+s3], $0x240, $0x38;
	[tilespmem:$0x12280] =	vst v63  }
0x2d: {  	_ =	swait.ge [sflag:s4], $0x240  }
0x2e: {  	[sflag:s4] =	ssyncset.done $0x0  }
0x2f: {  	[sflag:s4] =	ssyncadd.s32 $0xFFFFFDC0  }
0x30: {  	[tilespmem:s7], [sflag:$0x1] =	stream.indirect.gather [hbm4b:s2+s6], $0x80, s3, s6, $0xb8;
	[tilespmem:$0x12280] =	vst v63  }
0x31: {  	_ = 	snop  }
0x32: {  	[tilespmem:s8], [sflag:$0x1] =	stream.indirect.gather [hbm4b:s2+s6], $0x80, s6, s6, $0xb8;
	[tilespmem:$0x12280] =	vst v63  }
0x33: {  	_ = 	snop  }
0x34: {  	[tilespmem:s10], [sflag:$0x1] =	stream.indirect.gather [hbm4b:s2+s6], $0x80, s9, s6, $0xb8;
	[tilespmem:$0x12280] =	vst v63  }
0x35: {  	_ = 	snop  }
0x36: {  	[tilespmem:s12], [sflag:$0x1] =	stream.indirect.gather [hbm4b:s2+s6], $0x80, s11, s6, $0xb8;
	[tilespmem:$0x12280] =	vst v63  }
0x37: {  	_ = 	snop  }
0x38: {  	[tilespmem:s14], [sflag:$0x1] =	stream.indirect.gather [hbm4b:s2+s6], $0x80, s13, s6, $0xb8;
	[tilespmem:$0x12280] =	vst v63  }
0x39: {  	_ = 	snop  }
0x3a: {  	[tilespmem:s16], [sflag:$0x1] =	stream.indirect.gather [hbm4b:s2+s6], $0x80, s15, s6, $0xb8;
	[tilespmem:$0x12280] =	vst v63  }
0x3b: {  	_ =	swait.ge [sflag:s17], $0x3000  }
0x3c: {  	[sflag:s17] =	ssyncset.done $0x0  }
0x3d: {  	[sflag:s17] =	ssyncadd.s32 $0xFFFFD000  }
0x3e: {  	_ =	swait.ge [sflag:s17], $0x3000  }
0x3f: {  	[sflag:s17] =	ssyncset.done $0x0  }
0x40: {  	[sflag:s17] =	ssyncadd.s32 $0xFFFFD000  }
0x41: {  	_ =	swait.ge [sflag:s17], $0x3000  }
0x42: {  	[sflag:s17] =	ssyncset.done $0x0  }
0x43: {  	[sflag:s17] =	ssyncadd.s32 $0xFFFFD000  }
0x44: {  	_ =	swait.ge [sflag:s17], $0x3000  }
0x45: {  	[sflag:s17] =	ssyncset.done $0x0  }
0x46: {  	[sflag:s17] =	ssyncadd.s32 $0xFFFFD000  }
0x47: {  	_ =	swait.ge [sflag:s17], $0x3000  }
0x48: {  	[sflag:s17] =	ssyncset.done $0x0  }
0x49: {  	[sflag:s17] =	ssyncadd.s32 $0xFFFFD000  }
0x4a: {  	_ =	swait.ge [sflag:s17], $0x3000  }
.Ltmp1:
0x4b: {  	[sflag:s17] =	ssyncset.done $0x0;
	(pc) =	sbr.rel @p0 .LBB2_1-.Ltmp1, $4  }
0x4c: {  	[sflag:s17] =	ssyncadd.s32 $0xFFFFD000  }
0x4d: {  	[hbm4b:s18+s3] =	stream.linear.scatter [tilespmem:s7], [sflag:$0x2], $0x12000, $0x38;
	[tilespmem:$0x12280] =	vst v63  }
0x4e: {  	_ =	swait.ge [sflag:s4], $0x12000  }
0x4f: {  	[sflag:s4] =	ssyncset.done $0x0  }
.LBB2_2:
0x50: {  	[sflag:s4] =	ssyncadd.s32 $0xFFFEE000  }
0x51: {  	_ =	sfence.sel $0x180000  }
0x52: {  	[bflag:$0x0] =	sbarrier.arrive $0xFFFF  }
0x53: {  	p0 =	sne.s32 s0, $0x0;
	_ =	strace $0x90000047  }
0x54: {  	s0 =	sadd.s32 @!p0 $0x100000, s1;
	[bflag:$0x2] =	sbarrier.arrive $0xFFFF  }
0x55: {  	[sflag:s0] =	ssyncadd.tile.s32 @!p0 $0x1;
	_ =	shalt  }
.Lfunc_end2:
_tile_overlayer_lowered:
.L_overlay_start_2:
0x56: {  	(tag) =	ssettag $0x2  }
0x57: {  	s0 =	rddreg [dreg:$0x0];
	s2 =	stileid.u32  }
0x58: {  	s1 =	rddreg [dreg:$0x1];
	p0 =	sne.s32 s2, $0x0  }
0x59: {  	s3 =	rddreg [dreg:$0x2];
	[bflag:$0x3] =	sbarrier.arrive $0xFFFF;
	s2 =	simm.s32 @!p0 $0x1C02  }
0x5a: {  	[timem:s3], [sflag:s2] =	dma.local @!p0 [hbm:s0], s1  }
0x5b: {  	s0 =	simm.s32 @!p0 $0x2  }
0x5c: {  	_ =	swait.ge @!p0 [sflag:s0], s1  }
0x5d: {  	s1 =	ssub.s32 @!p0 $0x0, s1;
	[sflag:s0] =	ssyncset.done @!p0 $0x0  }
0x5e: {  	[sflag:s0] =	ssyncadd.s32 @!p0 s1  }
0x5f: {  	[bflag:$0x3] =	sbarrier.arrive $0xFFFF  }
0x60: {  	_ =	shalt  }

</sc_bundles>
